<compile_context>
chip_gen: v7x
topology: tpu7x:2x2x1
jax: 0.10.2.dev20260603
libtpu: 0.0.44.dev20260713+nightly
codegen_flags: <defaults>
</compile_context>

<pallas_src>
import jax
import jax.numpy as jnp
from jax.experimental import pallas as pl
from jax.experimental.pallas import tpu as pltpu

_F = 1025
_NB = 257
_O = 4
_W = 2 * _F
_ROW_BLK = 1024

_WSPLITS = (0, 256, 512, 1024, 2048, 2050)
_OSPLITS = (0, 512, 640, 768, 1024, 1028)


def _body(x_ref, m0_ref, m1_ref, m2_ref, m3_ref, m4_ref, b_ref,
          out_ref):
    xb = x_ref[...]
    o0 = jnp.dot(xb[:, 0:256], m0_ref[...], preferred_element_type=jnp.float32)
    o1 = jnp.dot(xb[:, 256:512], m1_ref[...], preferred_element_type=jnp.float32)
    o2 = jnp.dot(xb[:, 512:1024], m2_ref[...], preferred_element_type=jnp.float32)
    o3 = jnp.dot(xb[:, 1024:2048], m3_ref[...], preferred_element_type=jnp.float32)
    o4 = (xb[:, 2048:2049].astype(jnp.float32) * m4_ref[0:1, :_O]
          + xb[:, 2049:2050].astype(jnp.float32) * m4_ref[1:2, :_O])
    out = jnp.concatenate([o0, o1, o2, o3, o4], axis=1)
    out_ref[...] = (out + b_ref[...]).astype(jnp.bfloat16)


def kernel(x, pre_w, pre_b,
           sb_idxes_0, sb_melbanks_0, sb_masks_0, sb_subbands_0,
           sb_idxes_1, sb_melbanks_1, sb_masks_1, sb_subbands_1,
           sb_idxes_2, sb_melbanks_2, sb_masks_2, sb_subbands_2,
           sb_idxes_3, sb_melbanks_3, sb_masks_3, sb_subbands_3):
    B, C, T, F, I = x.shape
    O = pre_w.shape[-1]
    R = B * C * T

    fbins = jnp.arange(F, dtype=jnp.int32)
    g = jnp.zeros((F,), jnp.float32)
    widths = []
    for idxs, mel, msk in (
        (sb_idxes_0, sb_melbanks_0, sb_masks_0),
        (sb_idxes_1, sb_melbanks_1, sb_masks_1),
        (sb_idxes_2, sb_melbanks_2, sb_masks_2),
        (sb_idxes_3, sb_melbanks_3, sb_masks_3),
    ):
        idx = idxs.astype(jnp.int32).reshape(-1)
        mm = (mel * msk).reshape(-1)
        oh = (idx[:, None] == fbins[None, :]).astype(jnp.float32)
        g = g + jnp.einsum("s,sf->f", mm, oh)
        widths.append(msk.sum(axis=1).astype(jnp.int32))
    cum = jnp.cumsum(jnp.concatenate(widths))
    band_map = (cum[:, None] <= fbins[None, :]).astype(jnp.int32).sum(0)

    wg = pre_w * g[None, :, None]
    wt = wg.transpose(1, 0, 2).reshape(_W, O)
    band_w = jnp.repeat(band_map, I)
    ms = []
    for k in range(4):
        ws, we = _WSPLITS[k], _WSPLITS[k + 1]
        os_, oe = _OSPLITS[k], _OSPLITS[k + 1]
        cols = jnp.arange(os_, oe)
        wt_sel = jnp.take(wt[ws:we], cols % O, axis=1)
        bmask = band_w[ws:we, None] == (cols // O)[None, :]
        ms.append(jnp.where(bmask, wt_sel, 0.0).astype(jnp.bfloat16))
    m4 = jnp.zeros((8, 128), jnp.float32)
    m4 = m4.at[:2, :O].set(wt[2048:2050, :])
    bias = pre_b.reshape(1, _NB * O)

    n_chunks = 4
    bs = B // n_chunks
    rs = bs * C * T
    pieces = []
    for c in range(n_chunks):
        xr = x[c * bs:(c + 1) * bs].astype(jnp.bfloat16).reshape(rs, _W)
        out2d = pl.pallas_call(
            _body,
            grid=(rs // _ROW_BLK,),
            in_specs=[
                pl.BlockSpec((_ROW_BLK, _W), lambda i: (i, 0)),
                pl.BlockSpec((256, 512), lambda i: (0, 0)),
                pl.BlockSpec((256, 128), lambda i: (0, 0)),
                pl.BlockSpec((512, 128), lambda i: (0, 0)),
                pl.BlockSpec((1024, 256), lambda i: (0, 0)),
                pl.BlockSpec((8, 128), lambda i: (0, 0)),
                pl.BlockSpec((1, _NB * O), lambda i: (0, 0)),
            ],
            out_specs=pl.BlockSpec((_ROW_BLK, _NB * O), lambda i: (i, 0)),
            out_shape=jax.ShapeDtypeStruct((rs, _NB * O), jnp.bfloat16),
            compiler_params=pltpu.CompilerParams(
                dimension_semantics=("parallel",)),
        )(xr, ms[0], ms[1], ms[2], ms[3], m4, bias)
        pieces.append(out2d.reshape(bs, C, T, _NB, O).astype(x.dtype))
    return jnp.concatenate(pieces, axis=0)

# --- scband reference (transcript-rebuilt; emitter-appended) ---
"""Pipeline reference for scband-band-split-57320633532813 (READ-ONLY COPY).

The authoritative reference and input builder live on the scoring server;
editing this copy changes nothing except your own understanding.
"""

import jax, jax.numpy as jnp
import numpy as np

N_FFT = 2048
N_BANDS = 257
IN_CH = 2
OUT_CH = 4
Q = 4
F_BINS = N_FFT // 2 + 1


def _build_melbanks():
    m = np.zeros((N_BANDS, F_BINS), dtype=np.float64)
    for i in range(128):
        m[i, i] = 1
    for i in range(32):
        m[i + 128, 128 + i * 4:128 + (i + 1) * 4] = 1
    for i in range(32):
        m[i + 160, 256 + i * 8:256 + (i + 1) * 8] = 1
    for i in range(64):
        m[i + 192, 512 + i * 8:512 + (i + 1) * 8] = 1
    m[-1, -1] = 1
    return m


def _build_buffers():
    m = _build_melbanks()
    nonzero_indexes = []
    nonzero_melbanks = []
    for f in range(N_BANDS):
        idx = np.nonzero(np.abs(m[f]) > 1e-06)[0]
        nonzero_indexes.append(idx)
        nonzero_melbanks.append(m[f, idx])
    cumsum = np.cumsum([len(i) for i in nonzero_indexes])
    total = cumsum[-1]
    subbands = []
    for q in range(Q):
        sb = [i for i in range(N_BANDS) if q / Q * total <= cumsum[i] < (q + 1) / Q * total]
        subbands.append(sb)
    subbands[-1].append(N_BANDS - 1)
    bufs = []
    for q in range(Q):
        idx_list = [nonzero_indexes[f] for f in subbands[q]]
        mel_list = [nonzero_melbanks[f] for f in subbands[q]]
        w = max(len(a) for a in idx_list)
        s = len(idx_list)
        sb_idxes = np.full((s, w), -1, dtype=np.int64)
        sb_mel = np.zeros((s, w), dtype=np.float64)
        for r in range(s):
            a = idx_list[r]
            b = mel_list[r]
            sb_idxes[r, :len(a)] = a
            sb_mel[r, :len(b)] = b
        sb_masks = (sb_idxes != -1).astype(np.float32)
        sb_idxes[sb_idxes == -1] = N_FFT // 2
        bufs.append((sb_idxes, sb_mel.astype(np.float32), sb_masks, np.array(subbands[q], dtype=np.int64)))
    return m, bufs


def setup_inputs(seed: int = 0) -> dict:
    key = jax.random.key(seed)
    m, bufs = _build_buffers()
    k1, k2 = jax.random.split(key)
    x = jax.random.normal(k1, (8, 2, 512, F_BINS, IN_CH), dtype=jnp.float32)
    gain = np.sqrt(np.linalg.pinv(IN_CH * m ** 2) @ np.ones(N_BANDS))
    pre_w = jax.random.uniform(k2, (IN_CH, F_BINS, OUT_CH), dtype=jnp.float32, minval=-1.0, maxval=1.0)
    pre_w = pre_w * jnp.asarray(gain[None, :, None], dtype=jnp.float32)
    pre_b = jnp.zeros((N_BANDS, OUT_CH), dtype=jnp.float32)
    inp = {"x": x, "pre_w": pre_w, "pre_b": pre_b}
    for q in range(Q):
        idxes, mel, masks, sbs = bufs[q]
        inp["sb_idxes_%d" % q] = jnp.asarray(idxes)
        inp["sb_melbanks_%d" % q] = jnp.asarray(mel)
        inp["sb_masks_%d" % q] = jnp.asarray(masks)
        inp["sb_subbands_%d" % q] = jnp.asarray(sbs)
    return inp


def reference(x, pre_w, pre_b,
              sb_idxes_0, sb_melbanks_0, sb_masks_0, sb_subbands_0,
              sb_idxes_1, sb_melbanks_1, sb_masks_1, sb_subbands_1,
              sb_idxes_2, sb_melbanks_2, sb_masks_2, sb_subbands_2,
              sb_idxes_3, sb_melbanks_3, sb_masks_3, sb_subbands_3):
    bufs = {
        "sb_idxes_0": sb_idxes_0, "sb_melbanks_0": sb_melbanks_0,
        "sb_masks_0": sb_masks_0, "sb_subbands_0": sb_subbands_0,
        "sb_idxes_1": sb_idxes_1, "sb_melbanks_1": sb_melbanks_1,
        "sb_masks_1": sb_masks_1, "sb_subbands_1": sb_subbands_1,
        "sb_idxes_2": sb_idxes_2, "sb_melbanks_2": sb_melbanks_2,
        "sb_masks_2": sb_masks_2, "sb_subbands_2": sb_subbands_2,
        "sb_idxes_3": sb_idxes_3, "sb_melbanks_3": sb_melbanks_3,
        "sb_masks_3": sb_masks_3, "sb_subbands_3": sb_subbands_3,
    }
    B, C, T, F_, I = x.shape
    O = pre_w.shape[-1]
    out = jnp.zeros((B, C, T, N_BANDS, O), dtype=x.dtype)
    for q in range(Q):
        idxes = bufs["sb_idxes_%d" % q]
        mel = bufs["sb_melbanks_%d" % q]
        masks = bufs["sb_masks_%d" % q]
        sbs = bufs["sb_subbands_%d" % q]
        _x = x[..., idxes, :] * mel[:, :, None] * masks[:, :, None]
        _w = pre_w[:, idxes, :] * masks[None, :, :, None]
        _b = pre_b[sbs, :]
        _y = jnp.einsum('bctswi,iswo->bctso', _x, _w) + _b
        out = out.at[:, :, :, sbs, :].set(_y)
    return out

if __name__ == "__main__":
    import jax
    _d = setup_inputs()
    print(jax.jit(kernel)(*tuple(_d.values())))

</pallas_src>

<mosaic_0001>
module attributes {stable_mosaic.version = 14 : i64} {
  func.func @_body(%arg0: i32, %arg1: memref<1024x2050xbf16, #tpu.memory_space<vmem>>, %arg2: memref<256x512xbf16, #tpu.memory_space<vmem>>, %arg3: memref<256x128xbf16, #tpu.memory_space<vmem>>, %arg4: memref<512x128xbf16, #tpu.memory_space<vmem>>, %arg5: memref<1024x256xbf16, #tpu.memory_space<vmem>>, %arg6: memref<8x128xf32, #tpu.memory_space<vmem>>, %arg7: memref<1x1028xf32, #tpu.memory_space<vmem>>, %arg8: memref<1024x1028xbf16, #tpu.memory_space<vmem>>) attributes {dimension_semantics = [#tpu.dimension_semantics<parallel>], iteration_bounds = array<i64: 2>, scalar_prefetch = 0 : i64, scratch_operands = 0 : i64, tpu.core_type = #tpu.core_type<tc>, window_params = [{transform_indices = @transform_0, window_bounds = array<i64: 1024, 2050>}, {pipeline_mode = #tpu.pipeline_mode<synchronous>, transform_indices = @transform_1, window_bounds = array<i64: 256, 512>}, {pipeline_mode = #tpu.pipeline_mode<synchronous>, transform_indices = @transform_2, window_bounds = array<i64: 256, 128>}, {pipeline_mode = #tpu.pipeline_mode<synchronous>, transform_indices = @transform_3, window_bounds = array<i64: 512, 128>}, {pipeline_mode = #tpu.pipeline_mode<synchronous>, transform_indices = @transform_4, window_bounds = array<i64: 1024, 256>}, {pipeline_mode = #tpu.pipeline_mode<synchronous>, transform_indices = @transform_5, window_bounds = array<i64: 8, 128>}, {pipeline_mode = #tpu.pipeline_mode<synchronous>, transform_indices = @transform_6, window_bounds = array<i64: 1, 1028>}, {transform_indices = @transform_7, window_bounds = array<i64: 1024, 1028>}]} {
    %get3A = arith.constant 0 : index
    %get3A_0 = arith.constant 0 : index
    %get3A_1 = vector.load %arg1[%get3A, %get3A_0] : memref<1024x2050xbf16, #tpu.memory_space<vmem>>, vector<1024x2050xbf16>
    %slice3A = vector.extract_strided_slice %get3A_1 {offsets = [0, 0], sizes = [1024, 256], strides = [1, 1]} : vector<1024x2050xbf16> to vector<1024x256xbf16>
    %get3A_2 = arith.constant 0 : index
    %get3A_3 = arith.constant 0 : index
    %get3A_4 = vector.load %arg2[%get3A_2, %get3A_3] : memref<256x512xbf16, #tpu.memory_space<vmem>>, vector<256x512xbf16>
    %dot_general3A = arith.constant dense<0.000000e+00> : vector<1024x512xf32>
    %dot_general3A_5 = tpu.matmul %slice3A, %get3A_4, %dot_general3A {dimension_numbers = #tpu.dot_dimension_numbers<[1], [0], [0], [1], [0, 0, 1, 1], [], []>, transpose_lhs_hint = false} : vector<1024x256xbf16>, vector<256x512xbf16>, vector<1024x512xf32> -> vector<1024x512xf32>
    %slice3A_6 = vector.extract_strided_slice %get3A_1 {offsets = [0, 256], sizes = [1024, 256], strides = [1, 1]} : vector<1024x2050xbf16> to vector<1024x256xbf16>
    %get3A_7 = arith.constant 0 : index
    %get3A_8 = arith.constant 0 : index
    %get3A_9 = vector.load %arg3[%get3A_7, %get3A_8] : memref<256x128xbf16, #tpu.memory_space<vmem>>, vector<256x128xbf16>
    %dot_general3A_10 = arith.constant dense<0.000000e+00> : vector<1024x128xf32>
    %dot_general3A_11 = tpu.matmul %slice3A_6, %get3A_9, %dot_general3A_10 {dimension_numbers = #tpu.dot_dimension_numbers<[1], [0], [0], [1], [0, 0, 1, 1], [], []>, transpose_lhs_hint = false} : vector<1024x256xbf16>, vector<256x128xbf16>, vector<1024x128xf32> -> vector<1024x128xf32>
    %slice3A_12 = vector.extract_strided_slice %get3A_1 {offsets = [0, 512], sizes = [1024, 512], strides = [1, 1]} : vector<1024x2050xbf16> to vector<1024x512xbf16>
    %get3A_13 = arith.constant 0 : index
    %get3A_14 = arith.constant 0 : index
    %get3A_15 = vector.load %arg4[%get3A_13, %get3A_14] : memref<512x128xbf16, #tpu.memory_space<vmem>>, vector<512x128xbf16>
    %dot_general3A_16 = arith.constant dense<0.000000e+00> : vector<1024x128xf32>
    %dot_general3A_17 = tpu.matmul %slice3A_12, %get3A_15, %dot_general3A_16 {dimension_numbers = #tpu.dot_dimension_numbers<[1], [0], [0], [1], [0, 0, 1, 1], [], []>, transpose_lhs_hint = false} : vector<1024x512xbf16>, vector<512x128xbf16>, vector<1024x128xf32> -> vector<1024x128xf32>
    %slice3A_18 = vector.extract_strided_slice %get3A_1 {offsets = [0, 1024], sizes = [1024, 1024], strides = [1, 1]} : vector<1024x2050xbf16> to vector<1024x1024xbf16>
    %get3A_19 = arith.constant 0 : index
    %get3A_20 = arith.constant 0 : index
    %get3A_21 = vector.load %arg5[%get3A_19, %get3A_20] : memref<1024x256xbf16, #tpu.memory_space<vmem>>, vector<1024x256xbf16>
    %dot_general3A_22 = arith.constant dense<0.000000e+00> : vector<1024x256xf32>
    %dot_general3A_23 = tpu.matmul %slice3A_18, %get3A_21, %dot_general3A_22 {dimension_numbers = #tpu.dot_dimension_numbers<[1], [0], [0], [1], [0, 0, 1, 1], [], []>, transpose_lhs_hint = false} : vector<1024x1024xbf16>, vector<1024x256xbf16>, vector<1024x256xf32> -> vector<1024x256xf32>
    %slice3A_24 = vector.extract_strided_slice %get3A_1 {offsets = [0, 2048], sizes = [1024, 1], strides = [1, 1]} : vector<1024x2050xbf16> to vector<1024x1xbf16>
    %convert_element_type3A = arith.extf %slice3A_24 : vector<1024x1xbf16> to vector<1024x1xf32>
    %get3A_25 = arith.constant 0 : index
    %get3A_26 = arith.constant 0 : index
    %get3A_27 = vector.load %arg6[%get3A_25, %get3A_26] : memref<8x128xf32, #tpu.memory_space<vmem>>, vector<1x4xf32>
    %mul3A = vector.broadcast %convert_element_type3A : vector<1024x1xf32> to vector<1024x4xf32>
    %mul3A_28 = vector.broadcast %get3A_27 : vector<1x4xf32> to vector<1024x4xf32>
    %mul3A_29 = arith.mulf %mul3A, %mul3A_28 : vector<1024x4xf32>
    %slice3A_30 = vector.extract_strided_slice %get3A_1 {offsets = [0, 2049], sizes = [1024, 1], strides = [1, 1]} : vector<1024x2050xbf16> to vector<1024x1xbf16>
    %convert_element_type3A_31 = arith.extf %slice3A_30 : vector<1024x1xbf16> to vector<1024x1xf32>
    %get3A_32 = arith.constant 1 : index
    %get3A_33 = arith.constant 0 : index
    %get3A_34 = vector.load %arg6[%get3A_32, %get3A_33] : memref<8x128xf32, #tpu.memory_space<vmem>>, vector<1x4xf32>
    %mul3A_35 = vector.broadcast %convert_element_type3A_31 : vector<1024x1xf32> to vector<1024x4xf32>
    %mul3A_36 = vector.broadcast %get3A_34 : vector<1x4xf32> to vector<1024x4xf32>
    %mul3A_37 = arith.mulf %mul3A_35, %mul3A_36 : vector<1024x4xf32>
    %add3A = arith.addf %mul3A_29, %mul3A_37 : vector<1024x4xf32>
    %concatenate3A = tpu.concatenate %dot_general3A_5, %dot_general3A_11, %dot_general3A_17, %dot_general3A_23, %add3A in 1 : vector<1024x512xf32>, vector<1024x128xf32>, vector<1024x128xf32>, vector<1024x256xf32>, vector<1024x4xf32> -> vector<1024x1028xf32>
    %get3A_38 = arith.constant 0 : index
    %get3A_39 = arith.constant 0 : index
    %get3A_40 = vector.load %arg7[%get3A_38, %get3A_39] : memref<1x1028xf32, #tpu.memory_space<vmem>>, vector<1x1028xf32>
    %add3A_41 = vector.broadcast %get3A_40 : vector<1x1028xf32> to vector<1024x1028xf32>
    %add3A_42 = arith.addf %concatenate3A, %add3A_41 : vector<1024x1028xf32>
    %convert_element_type3A_43 = arith.truncf %add3A_42 : vector<1024x1028xf32> to vector<1024x1028xbf16>
    %swap3A = arith.constant 0 : index
    %swap3A_44 = arith.constant 0 : index
    %swap3A_45 = vector.load %arg8[%swap3A, %swap3A_44] : memref<1024x1028xbf16, #tpu.memory_space<vmem>>, vector<1024x1028xbf16>
    tpu.vector_store %arg8[%swap3A, %swap3A_44], %convert_element_type3A_43 {strides = array<i32>} : memref<1024x1028xbf16, #tpu.memory_space<vmem>>, vector<1024x1028xbf16>,
    return
  }
  func.func @transform_0(%arg0: i32) -> (i32, i32) {
    %c0_i32 = arith.constant 0 : i32
    %c0_i32_0 = arith.constant 0 : i32
    return %arg0, %c0_i32 : i32, i32
  }
  func.func @transform_1(%arg0: i32) -> (i32, i32) {
    %c0_i32 = arith.constant 0 : i32
    %c0_i32_0 = arith.constant 0 : i32
    %c0_i32_1 = arith.constant 0 : i32
    return %c0_i32, %c0_i32_0 : i32, i32
  }
  func.func @transform_2(%arg0: i32) -> (i32, i32) {
    %c0_i32 = arith.constant 0 : i32
    %c0_i32_0 = arith.constant 0 : i32
    %c0_i32_1 = arith.constant 0 : i32
    return %c0_i32, %c0_i32_0 : i32, i32
  }
  func.func @transform_3(%arg0: i32) -> (i32, i32) {
    %c0_i32 = arith.constant 0 : i32
    %c0_i32_0 = arith.constant 0 : i32
    %c0_i32_1 = arith.constant 0 : i32
    return %c0_i32, %c0_i32_0 : i32, i32
  }
  func.func @transform_4(%arg0: i32) -> (i32, i32) {
    %c0_i32 = arith.constant 0 : i32
    %c0_i32_0 = arith.constant 0 : i32
    %c0_i32_1 = arith.constant 0 : i32
    return %c0_i32, %c0_i32_0 : i32, i32
  }
  func.func @transform_5(%arg0: i32) -> (i32, i32) {
    %c0_i32 = arith.constant 0 : i32
    %c0_i32_0 = arith.constant 0 : i32
    %c0_i32_1 = arith.constant 0 : i32
    return %c0_i32, %c0_i32_0 : i32, i32
  }
  func.func @transform_6(%arg0: i32) -> (i32, i32) {
    %c0_i32 = arith.constant 0 : i32
    %c0_i32_0 = arith.constant 0 : i32
    %c0_i32_1 = arith.constant 0 : i32
    return %c0_i32, %c0_i32_0 : i32, i32
  }
  func.func @transform_7(%arg0: i32) -> (i32, i32) {
    %c0_i32 = arith.constant 0 : i32
    %c0_i32_0 = arith.constant 0 : i32
    return %arg0, %c0_i32 : i32, i32
  }
}

</mosaic_0001>

<sc_bundles>
// kernel: sparse-core-data-format-call.cloned.1.call-start
scs
called_computation_lowered:
.L_overlay_start_0:
0x0: {  	s2 =	sld [smem:$0x3FD9]  }
0x1: {  	s3 =	sld [smem:$0x3FFE];
	_ =	sdelay $0x1  }
0x2: {  	s1 =	srdreg.scid  }
0x3: {  	s0 =	sand.u32 $0x1, s1  }
0x4: {  	s18 =	sshll.u32 s0, $0xA;
	s2 =	sadd.s32 s3, s2  }
0x5: {  	s2 =	sadd.s32 s2, s18  }
0x6: {  	[smem:$0x3FB9] =	sst s2  }
0x7: {  	_ = 	snop  }
0x8: {  	s2 =	sld [smem:$0x3FD0];
	(tm) =	ssettm $0x1  }
0x9: {  	s19 =	sld [smem:$0x3FFB];
	_ =	sdelay $0x3  }
0xa: {  	_ =	strace s19  }
0xb: {  	s3 =	sld [smem:$0x3FFC];
	_ =	sdelay $0x3  }
0xc: {  	_ =	strace s3  }
0xd: {  	s3 =	sld [smem:$0x3FFD];
	_ =	sdelay $0x3  }
0xe: {  	_ =	strace s3  }
0xf: {  	_ =	strace $0x8FFFFFFF  }
0x10: {  	s20 =	sld [smem:$0x3FDB];
	_ =	sdelay $0x1  }
0x11: {  	s4 =	simm.s32 $_scs_section_size  }
0x12: {  	s5 =	simm.s32 $_size__tile_overlayer_lowered;
	s6 =	simm.s32 $_tile_overlayer_lowered  }
0x13: {  	s23 =	simm.s32 $0x1BFF;
	s22 =	sshll.u32 s6, $0x1;
	s3 =	sadd.s32 s4, s20  }
0x14: {  	s7 =	simm.s32 $0x0;
	s21 =	sshll.u32 s5, $0x1;
	s5 =	sadd.s32 s22, s3  }
0x15: {  	[timem:s7], [sflag:s23] =	dma.local [hbm:s5], s21  }
0x16: {  	_ =	swait.ge [sflag:s23], s21  }
0x17: {  	s4 =	ssub.s32 $0x0, s21;
	[sflag:s23] =	ssyncset.done $0x0  }
0x18: {  	[sflag:s23] =	ssyncadd.s32 s4;
	_ =	sdelay $0x1  }
0x19: {  	s24 =	simm.s32 $0x1B8B  }
0x1a: {  	_ =	swait.ge [sflag:s24], $0x1  }
0x1b: {  	[sflag:s24] =	ssyncset.done $0x0  }
0x1c: {  	s26 =	simm.s32 $0x1B8E;
	s25 =	sld [smem:$0x3FFE];
	[sflag:s24] =	ssyncadd.s32 $0xFFFFFFFF  }
0x1d: {  	s27 =	simm.s32 $execute0_lowered;
	[smem:$0x3FD2] =	sst s26  }
0x1e: {  	s5 =	sshll.u32 s27, $0x1;
	_ =	strace $0x80000046;
	[dreg:$0x1] =	wrdreg $0xFFFFFFFF  }
0x1f: {  	s28 =	simm.s32 $_size_execute0_lowered;
	s3 =	sadd.s32 s3, s5;
	[dreg:$0x0] =	wrdreg $0x0  }
0x20: {  	s5 =	sshll.u32 s28, $0x1;
	[dreg:$0x2] =	wrdreg s3  }
0x21: {  	[dreg:$0x3] =	wrdreg s5  }
0x22: {  	[dreg:$0x4] =	wrdreg $0xC0  }
0x23: {  	_ =	task [dreg:s7], $0x5FFFF  }
0x24: {  	[dreg:$0x1] =	wrdreg $0xFFFFFFFF  }
0x25: {  	[dreg:$0x0] =	wrdreg $0x60  }
0x26: {  	[dreg:$0x2] =	wrdreg s25  }
0x27: {  	[dreg:$0x3] =	wrdreg s2  }
0x28: {  	[dreg:$0x4] =	wrdreg $0x9  }
0x29: {  	_ =	task.clear_ibuf [dreg:s7], $0x5FFFF;
	_ =	strace $0x90000046  }
0x2a: {  	s29 =	simm.s32 $0x9;
	_ =	strace $0x80000048  }
0x2b: {  	_ =	swait.ge [sflag:s29], $0x1  }
0x2c: {  	[sflag:s29] =	ssyncadd.s32 $0xFFFFFFFF  }
0x2d: {  	_ =	strace $0x90000048  }
0x2e: {  	_ =	sfence  }
0x2f: {  	s30 =	sld [smem:$0x0];
	_ =	sdelay $0x2  }
0x30: {  	s31 =	sshll.u32 s1, $0xD;
	s1 =	sshrl.u32 s1, $0x2  }
0x31: {  	s3 =	sand.u32 $0x4000, s31;
	s1 =	sadd.s32 s1, s30  }
0x32: {  	s0 =	sor.u32 s3, s0;
	s1 =	sshll.u32 s1, $0x11  }
0x33: {  	s0 =	sor.u32 s1, s0  }
0x34: {  	s0 =	sadd.s32 $0x8F2B, s0  }
0x35: {  	[sflag:s0] =	ssyncadd.remote.s32 $0x1  }
0x36: {  	_ =	sfence.sel $0xFFFF  }
0x37: {  	[dreg:$0x0] =	wrdreg $0xFFFFFFFF;
	(pc) =	sbr.abs _section_cstart, $3  }
0x38: {  	[dreg:$0x1] =	wrdreg $0xFFFFFFFF  }
0x39: {  	_ =	task.clear_ibuf [dreg:s7], $0x2FFFF;
	_ =	strace $0x9FFFFFFF  }
0x3a: {  	(tm) =	ssettm $0x7FFFFFFF  }
0x3b: {  	_ =	shalt  }
tec
execute0_lowered:
.L_overlay_start_1:
0x0: {  	(tag) =	ssettag $0x1  }
0x1: {  	s2 =	rddreg [dreg:$0x0]  }
0x2: {  	s0 =	srdreg.scid;
	s4 =	rddreg [dreg:$0x1]  }
0x3: {  	s31 =	simm.s32 $0x2;
	s14 =	simm.s32 $0x0;
	p0 =	por $0x0, $0x0  }
0x4: {  	s9 =	simm.s32 $0x800;
	s1 =	sshll.u32 s0, $0x4;
	s0 =	stileid.u32  }
0x5: {  	s10 =	simm.s32 $0x101000;
	s1 =	sand.u32 $0x10, s1;
	s3 =	sand.u32 $0x1, s0  }
0x6: {  	s15 =	simm.s32 $0x0;
	s1 =	sor.u32 s0, s1;
	s30 =	ssub.s32 $0x2, s3  }
0x7: {  	s13 =	simm.s32 $0x0;
	s5 =	sshrl.u32 s1, $0x1;
	s6 =	sshrl.u32 s30, $0x1  }
.Ltmp0:
0x8: {  	s7 =	sand.u32 $0x1, s30;
	s8 =	ssub.s32 $0x110, s5;
	(pc) =	sbr.rel .LBB1_1-.Ltmp0, $4  }
0x9: {  	s1 =	rddreg [dreg:$0x2];
	s7 =	sadd.s32 s7, s6;
	s8 =	sshrl.u32 s8, $0x4  }
0xa: {  	_ =	strace $0x80000047;
	s6 =	simm.s32 $0x1;
	s7 =	smul.u32 s7, s8  }
0xb: {  	s20 =	simm.s32 $0x0;
	s12 =	smov.u32 s3;
	[sflag:s6] =	ssyncpa.u1 $0x0  }
0xc: {  	s11 =	smov.u32 s5;
	[sflag:s31] =	ssyncpa.u1 $0x0;
	s8 =	sadd.s32 $0x1, s7  }
.LBB1_7:
0xd: {  	s16 =	sadd.s32 $0x10, s11  }
0xe: {  	s14 =	sadd.s32 $0x2, s12;
	s18 =	smov.u32 s12;
	p2 =	sgt.s32 s16, $0x100  }
0xf: {  	s18 =	smov.u32 @p2 s14  }
0x10: {  	s16 =	smov.u32 @p2 s5;
	p2 =	sgt.s32 s18, $0x1  }
0x11: {  	s18 =	smov.u32 @p2 s3;
	p2 =	sne.s32 s13, s8  }
.Ltmp1:
0x12: {  	p1 =	slt.u32 s13, $0x2;
	(pc) =	sbr.rel @!p2 .LBB1_8-.Ltmp1, $4  }
0x13: {  	s17 =	simm.s32 @!p1 $0x2  }
0x14: {  	s15 =	smov.u32 s12;
	p0 =	por !p0, !p0;
	_ =	swait.ge @!p1 [sflag:s17], $0x4000  }
0x15: {  	s14 =	smov.u32 s11;
	[sflag:s17] =	ssyncset.done @!p1 $0x0;
	s11 =	smov.u32 s16  }
0x16: {  	s13 =	sadd.s32 $0x1, s13;
	[sflag:s17] =	ssyncadd.s32 @!p1 $0xFFFFC000;
	s12 =	smov.u32 s18  }
.LBB1_1:
0x17: {  	p1 =	sge.u32 s13, s7  }
0x18: {  	s16 =	smul.u32 @!p1 $0x80800, s12  }
0x19: {  	s31 =	sadd.s32 $0xFFFFFFFF, s13;
	s17 =	sxor.u32 @!p1 $0xFFFFFFFF, s13  }
0x1a: {  	s18 =	sshll.u32 @!p1 s11, $0xB;
	s17 =	sshll.u32 @!p1 s17, $0xE;
	s16 =	sadd.s32 @!p1 s2, s16  }
0x1b: {  	s17 =	sand.u32 @!p1 $0x4000, s17;
	s16 =	sadd.s32 @!p1 s18, s16;
	s18 =	simm.s32 @!p1 $0x0  }
0x1c: {  	[tilespmem:s17], [sflag:$0x1] =	stream.linear.gather @!p1 [hbm4b:s16+s18], $0x4000, $0x38;
	[tilespmem:$0x10000] =	vst v63  }
0x1d: {  	p1 =	sge.u32 s31, s7  }
.Ltmp2:
0x1e: {  	_ = 	snop;
	(pc) =	sbr.rel @p1 .LBB1_7-.Ltmp2, $1  }
0x1f: {  	_ =	sdelay $0x3  }
0x20: {  	s16 =	simm.s32 $0x1;
	_ =	swait.ge [sflag:s6], $0x4000;
	s19 =	sshll.u32 s13, $0xE  }
0x21: {  	s21 =	simm.s32 $0x0;
	s16 =	simm.s32 @!p0 $0x0;
	[sflag:s6] =	ssyncset.done $0x0  }
0x22: {  	s19 =	sand.u32 $0x4000, s19;
	s17 =	sshll.u32 s16, $0xE;
	[sflag:s6] =	ssyncadd.s32 $0xFFFFC000  }
0x23: {  	s16 =	sor.u32 $0x8400, s17;
	s18 =	sor.u32 $0x810, s17;
	s17 =	sor.u32 $0x8000, s19  }
.LBB1_3:
0x24: {  	v4 =	vld [tilespmem:s18+$0xFFFFF7F0]  }
0x25: {  	v5 =	vld [tilespmem:s18+$0xFFFFF800]  }
0x26: {  	s22 =	sshll.u32 s21, $0xC;
	v6 =	vld [tilespmem:s18+$0xFFFFF810]  }
0x27: {  	v0 =	vmov s22  }
0x28: {  	v7 =	vld [tilespmem:s18+$0xFFFFF820]  }
0x29: {  	s31 =	sand.u32 $0x200, s20;
	[tilespmem:s16+$0xFFFFFC00] =	vst v4;
	v4 =	vld [tilespmem:s18+$0xFFFFF860]  }
0x2a: {  	s23 =	sand.u32 $0x180, s20;
	s22 =	sadd.s32 s31, s19;
	[tilespmem:s16+$0xFFFFFC10] =	vst v5;
	v5 =	vld [tilespmem:s18+$0xFFFFFC00]  }
0x2b: {  	s22 =	sadd.s32 s23, s22;
	[tilespmem:s16+$0xFFFFFC20] =	vst v6;
	v6 =	vld [tilespmem:s18+$0xFFFFFC10]  }
0x2c: {  	v1 =	vld.idx.msk [tilespmem:v0+s22+$0xC00 ss:$0x1], $0xffff  }
0x2d: {  	v2 =	vld.idx.msk [tilespmem:v0+s22+$0x400 ss:$0x1], $0xffff  }
0x2e: {  	[tilespmem:s16+$0xFFFFFC30] =	vst v7;
	v3 =	vld.idx.msk [tilespmem:v0+s22+$0x800 ss:$0x1], $0xffff  }
0x2f: {  	v7 =	vld [tilespmem:s18+$0x40];
	[tilespmem:s16+$0xFFFFFC70] =	vst v4  }
0x30: {  	v4 =	vld [tilespmem:s18+$0xFFFFFC50];
	[tilespmem:s16+$0xFFFFFE10] =	vst v5  }
0x31: {  	[tilespmem:s16+$0x200] =	vst v1;
	v1 =	vld [tilespmem:s18+$0xFFFFF830]  }
0x32: {  	[tilespmem:s16+$0xFFFFFE00] =	vst v2;
	v2 =	vld [tilespmem:s18+$0xFFFFF840]  }
0x33: {  	[tilespmem:s16+$0x0] =	vst v3;
	v3 =	vld [tilespmem:s18+$0xFFFFF850]  }
0x34: {  	v5 =	vld [tilespmem:s18+$0xFFFFFC60];
	[tilespmem:s16+$0xFFFFFE20] =	vst v6  }
0x35: {  	v6 =	vld [tilespmem:s18+$0x0];
	[tilespmem:s16+$0x50] =	vst v7  }
0x36: {  	[tilespmem:s16+$0xFFFFFC40] =	vst v1;
	v1 =	vld [tilespmem:s18+$0xFFFFFC20]  }
0x37: {  	[tilespmem:s16+$0xFFFFFC50] =	vst v2;
	v2 =	vld [tilespmem:s18+$0xFFFFFC30]  }
0x38: {  	[tilespmem:s16+$0xFFFFFC60] =	vst v3;
	v3 =	vld [tilespmem:s18+$0xFFFFFC40]  }
0x39: {  	[tilespmem:s16+$0xFFFFFE70] =	vst v5;
	v5 =	vld [tilespmem:s18+$0x50]  }
0x3a: {  	[tilespmem:s16+$0x10] =	vst v6;
	v6 =	vld [tilespmem:s18+$0x60]  }
0x3b: {  	[tilespmem:s16+$0xFFFFFE30] =	vst v1;
	v1 =	vld [tilespmem:s18+$0x10]  }
0x3c: {  	[tilespmem:s16+$0xFFFFFE40] =	vst v2;
	v2 =	vld [tilespmem:s18+$0x20]  }
0x3d: {  	[tilespmem:s16+$0xFFFFFE50] =	vst v3;
	v3 =	vld [tilespmem:s18+$0x30]  }
0x3e: {  	[tilespmem:s16+$0xFFFFFE60] =	vst v4;
	v4 =	vld [tilespmem:s18+$0x400]  }
0x3f: {  	[tilespmem:s16+$0x60] =	vst v5;
	v5 =	vld [tilespmem:s18+$0x440]  }
0x40: {  	[tilespmem:s16+$0x20] =	vst v1;
	v1 =	vld [tilespmem:s18+$0x410]  }
0x41: {  	s25 =	simm.s32 $0x80;
	s24 =	simm.s32 $0x100;
	[tilespmem:s16+$0x30] =	vst v2;
	v2 =	vld [tilespmem:s18+$0x420]  }
0x42: {  	s26 =	sand.u32 $0x200, s25;
	s23 =	smov.u32 s18;
	s22 =	smov.u32 s16;
	[tilespmem:s16+$0x40] =	vst v3;
	v3 =	vld [tilespmem:s18+$0x430]  }
.LBB1_4:
0x43: {  	p1 =	sne.s32 s24, $0x380;
	s25 =	sand.u32 $0x180, s25;
	s26 =	sadd.s32 s26, s19;
	[tilespmem:s22+$0x70] =	vst v6;
	v6 =	vld [tilespmem:s23+$0x450]  }
0x44: {  	s26 =	sadd.s32 s25, s26;
	[tilespmem:s22+$0x210] =	vst v4;
	v4 =	vld [tilespmem:s23+$0x460];
	s25 =	smov.u32 s24  }
0x45: {  	v7 =	vld.idx.msk [tilespmem:v0+s26+$0xC00 ss:$0x1], $0xffff;
	[tilespmem:s22+$0x220] =	vst v1  }
0x46: {  	v1 =	vld.idx.msk [tilespmem:v0+s26+$0x400 ss:$0x1], $0xffff;
	[tilespmem:s22+$0x230] =	vst v2  }
0x47: {  	s23 =	sadd.s32 $0x80, s23;
	v2 =	vld.idx.msk [tilespmem:v0+s26+$0x800 ss:$0x1], $0xffff;
	[tilespmem:s22+$0x240] =	vst v3  }
0x48: {  	v3 =	vld [tilespmem:s23+$0xFFFFF7F0];
	[tilespmem:s22+$0x250] =	vst v5  }
0x49: {  	v5 =	vld [tilespmem:s23+$0xFFFFF800];
	[tilespmem:s22+$0x260] =	vst v6  }
0x4a: {  	v6 =	vld [tilespmem:s23+$0xFFFFF810];
	[tilespmem:s22+$0x270] =	vst v4;
	s22 =	sadd.s32 $0x800, s22  }
0x4b: {  	v4 =	vld [tilespmem:s23+$0xFFFFF820];
	[tilespmem:s22+$0x200] =	vst v7  }
0x4c: {  	v7 =	vld [tilespmem:s23+$0xFFFFF830];
	[tilespmem:s22+$0xFFFFFE00] =	vst v1  }
0x4d: {  	v1 =	vld [tilespmem:s23+$0xFFFFF840];
	[tilespmem:s22+$0x0] =	vst v2  }
0x4e: {  	[tilespmem:s22+$0xFFFFFC00] =	vst v3;
	v2 =	vld [tilespmem:s23+$0xFFFFF850]  }
0x4f: {  	[tilespmem:s22+$0xFFFFFC10] =	vst v5;
	v3 =	vld [tilespmem:s23+$0xFFFFF860]  }
0x50: {  	[tilespmem:s22+$0xFFFFFC20] =	vst v6;
	v5 =	vld [tilespmem:s23+$0xFFFFFC00]  }
0x51: {  	[tilespmem:s22+$0xFFFFFC30] =	vst v4;
	v4 =	vld [tilespmem:s23+$0xFFFFFC10]  }
0x52: {  	[tilespmem:s22+$0xFFFFFC40] =	vst v7;
	v6 =	vld [tilespmem:s23+$0xFFFFFC20]  }
0x53: {  	[tilespmem:s22+$0xFFFFFC50] =	vst v1;
	v1 =	vld [tilespmem:s23+$0xFFFFFC30]  }
0x54: {  	[tilespmem:s22+$0xFFFFFC60] =	vst v2;
	v2 =	vld [tilespmem:s23+$0xFFFFFC40]  }
0x55: {  	[tilespmem:s22+$0xFFFFFC70] =	vst v3;
	v3 =	vld [tilespmem:s23+$0xFFFFFC50]  }
0x56: {  	[tilespmem:s22+$0xFFFFFE10] =	vst v5;
	v5 =	vld [tilespmem:s23+$0xFFFFFC60]  }
0x57: {  	[tilespmem:s22+$0xFFFFFE20] =	vst v4;
	v4 =	vld [tilespmem:s23+$0x0]  }
0x58: {  	[tilespmem:s22+$0xFFFFFE30] =	vst v6;
	v7 =	vld [tilespmem:s23+$0x10]  }
0x59: {  	[tilespmem:s22+$0xFFFFFE40] =	vst v1;
	v1 =	vld [tilespmem:s23+$0x20]  }
0x5a: {  	[tilespmem:s22+$0xFFFFFE50] =	vst v2;
	v2 =	vld [tilespmem:s23+$0x30]  }
0x5b: {  	[tilespmem:s22+$0xFFFFFE60] =	vst v3;
	v3 =	vld [tilespmem:s23+$0x40]  }
0x5c: {  	[tilespmem:s22+$0xFFFFFE70] =	vst v5;
	v5 =	vld [tilespmem:s23+$0x50]  }
0x5d: {  	[tilespmem:s22+$0x10] =	vst v4;
	v6 =	vld [tilespmem:s23+$0x60]  }
.Ltmp3:
0x5e: {  	[tilespmem:s22+$0x20] =	vst v7;
	v4 =	vld [tilespmem:s23+$0x400];
	(pc) =	sbr.rel @p1 .LBB1_4-.Ltmp3, $4  }
0x5f: {  	[tilespmem:s22+$0x30] =	vst v1;
	v1 =	vld [tilespmem:s23+$0x410]  }
0x60: {  	[tilespmem:s22+$0x40] =	vst v2;
	v2 =	vld [tilespmem:s23+$0x420]  }
0x61: {  	[tilespmem:s22+$0x50] =	vst v3;
	v3 =	vld [tilespmem:s23+$0x430]  }
0x62: {  	s24 =	sadd.s32 $0x80, s24;
	s26 =	sand.u32 $0x200, s25;
	[tilespmem:s22+$0x60] =	vst v5;
	v5 =	vld [tilespmem:s23+$0x440]  }
0x63: {  	[tilespmem:s22+$0x70] =	vst v6  }
0x64: {  	v30 =	vld [tilespmem:s23+$0x450];
	[tilespmem:s22+$0x210] =	vst v4  }
0x65: {  	v31 =	vld [tilespmem:s23+$0x460];
	s30 =	sadd.s32 $0x80, s23;
	[tilespmem:s22+$0x220] =	vst v1  }
0x66: {  	v35 =	vld [tilespmem:s30+$0xFFFFF7F0];
	[tilespmem:s22+$0x230] =	vst v2  }
0x67: {  	v36 =	vld [tilespmem:s30+$0xFFFFF800];
	[tilespmem:s22+$0x240] =	vst v3  }
0x68: {  	v37 =	vld [tilespmem:s30+$0xFFFFF810];
	[tilespmem:s22+$0x250] =	vst v5  }
0x69: {  	v38 =	vld [tilespmem:s30+$0xFFFFF820];
	[tilespmem:s22+$0x260] =	vst v30  }
0x6a: {  	s31 =	sadd.s32 $0x800, s22;
	v39 =	vld [tilespmem:s30+$0xFFFFF830];
	[tilespmem:s22+$0x270] =	vst v31  }
0x6b: {  	v40 =	vld [tilespmem:s30+$0xFFFFF840];
	[tilespmem:s31+$0xFFFFFC00] =	vst v35  }
0x6c: {  	v41 =	vld [tilespmem:s30+$0xFFFFF850];
	[tilespmem:s31+$0xFFFFFC10] =	vst v36  }
0x6d: {  	v42 =	vld [tilespmem:s30+$0xFFFFF860];
	[tilespmem:s31+$0xFFFFFC20] =	vst v37  }
0x6e: {  	v43 =	vld [tilespmem:s30+$0xFFFFFC00];
	[tilespmem:s31+$0xFFFFFC30] =	vst v38  }
0x6f: {  	v44 =	vld [tilespmem:s30+$0xFFFFFC10];
	[tilespmem:s31+$0xFFFFFC40] =	vst v39  }
0x70: {  	v45 =	vld [tilespmem:s30+$0xFFFFFC20];
	[tilespmem:s31+$0xFFFFFC50] =	vst v40  }
0x71: {  	v46 =	vld [tilespmem:s30+$0xFFFFFC30];
	[tilespmem:s31+$0xFFFFFC60] =	vst v41  }
0x72: {  	v47 =	vld [tilespmem:s30+$0xFFFFFC40];
	[tilespmem:s31+$0xFFFFFC70] =	vst v42  }
0x73: {  	v48 =	vld [tilespmem:s30+$0xFFFFFC50];
	[tilespmem:s31+$0xFFFFFE10] =	vst v43  }
0x74: {  	v49 =	vld [tilespmem:s30+$0xFFFFFC60];
	[tilespmem:s31+$0xFFFFFE20] =	vst v44  }
0x75: {  	v50 =	vld [tilespmem:s30+$0x0];
	[tilespmem:s31+$0xFFFFFE30] =	vst v45  }
0x76: {  	v51 =	vld [tilespmem:s30+$0x10];
	[tilespmem:s31+$0xFFFFFE40] =	vst v46  }
0x77: {  	v52 =	vld [tilespmem:s30+$0x20];
	[tilespmem:s31+$0xFFFFFE50] =	vst v47  }
0x78: {  	v53 =	vld [tilespmem:s30+$0x30];
	[tilespmem:s31+$0xFFFFFE60] =	vst v48  }
0x79: {  	v54 =	vld [tilespmem:s30+$0x40];
	[tilespmem:s31+$0xFFFFFE70] =	vst v49  }
0x7a: {  	v55 =	vld [tilespmem:s30+$0x50];
	[tilespmem:s31+$0x10] =	vst v50  }
0x7b: {  	v56 =	vld [tilespmem:s30+$0x60];
	[tilespmem:s31+$0x20] =	vst v51  }
0x7c: {  	v57 =	vld [tilespmem:s30+$0x400];
	[tilespmem:s31+$0x30] =	vst v52  }
0x7d: {  	v58 =	vld [tilespmem:s30+$0x410];
	[tilespmem:s31+$0x40] =	vst v53  }
0x7e: {  	v59 =	vld [tilespmem:s30+$0x420];
	[tilespmem:s31+$0x50] =	vst v54  }
0x7f: {  	v60 =	vld [tilespmem:s30+$0x430];
	[tilespmem:s31+$0x60] =	vst v55  }
0x80: {  	v61 =	vld [tilespmem:s30+$0x440];
	[tilespmem:s31+$0x70] =	vst v56  }
0x81: {  	s24 =	sand.u32 $0x180, s25;
	s29 =	sadd.s32 s26, s19;
	v62 =	vld [tilespmem:s30+$0x450];
	[tilespmem:s31+$0x210] =	vst v57  }
0x82: {  	s24 =	sadd.s32 s24, s29;
	v63 =	vld [tilespmem:s30+$0x460];
	[tilespmem:s31+$0x220] =	vst v58  }
0x83: {  	v32 =	vld.idx.msk [tilespmem:v0+s24+$0xC00 ss:$0x1], $0xffff;
	[tilespmem:s31+$0x230] =	vst v59  }
0x84: {  	s21 =	sadd.s32 $0x1, s21;
	v33 =	vld.idx.msk [tilespmem:v0+s24+$0x400 ss:$0x1], $0xffff;
	[tilespmem:s31+$0x240] =	vst v60  }
0x85: {  	p1 =	sne.s32 s21, $0x4;
	v34 =	vld.idx.msk [tilespmem:v0+s24+$0x800 ss:$0x1], $0xffff;
	[tilespmem:s31+$0x250] =	vst v61  }
.Ltmp4:
0x86: {  	[tilespmem:s31+$0x260] =	vst v62;
	(pc) =	sbr.rel @p1 .LBB1_3-.Ltmp4, $4  }
0x87: {  	[tilespmem:s31+$0x270] =	vst v63  }
0x88: {  	[tilespmem:s31+$0x200] =	vst v32  }
0x89: {  	[tilespmem:s31+$0xFFFFFE00] =	vst v33  }
0x8a: {  	s16 =	sadd.s32 $0x80, s16;
	s18 =	sadd.s32 $0x1000, s18;
	[tilespmem:s31+$0x0] =	vst v34  }
0x8b: {  	s15 =	smul.u32 $0x10100, s15  }
.Ltmp5:
0x8c: {  	_ = 	snop;
	(pc) =	sbr.rel .LBB1_7-.Ltmp5, $4  }
0x8d: {  	_ = 	snop  }
0x8e: {  	s14 =	sshll.u32 s14, $0x8;
	s15 =	sadd.s32 s4, s15  }
0x8f: {  	s14 =	sadd.s32 s14, s15  }
0x90: {  	[hbm4b:s14+s9] =	stream.strided.scatter [tilespmem:s17], [sflag:$0x2], $0x4000, s10, s9, $0x38;
	[tilespmem:$0x10000] =	vst v63  }
.LBB1_8:
0x91: {  	_ =	sfence.sel $0x180000  }
0x92: {  	s2 =	simm.s32 $0x1;
	[bflag:$0x0] =	sbarrier.arrive $0xFFFF  }
0x93: {  	s31 =	simm.s32 $0x2;
	[sflag:s2] =	ssyncpa.u1 $0x1  }
0x94: {  	[sflag:s31] =	ssyncpa.u1 $0x1  }
0x95: {  	p0 =	sne.s32 s0, $0x0;
	_ =	strace $0x90000047  }
0x96: {  	s0 =	sadd.s32 @!p0 $0x100000, s1;
	[bflag:$0x2] =	sbarrier.arrive $0xFFFF  }
0x97: {  	[sflag:s0] =	ssyncadd.tile.s32 @!p0 $0x1;
	_ =	shalt  }
.Lfunc_end1:
_tile_overlayer_lowered:
.L_overlay_start_2:
0x98: {  	(tag) =	ssettag $0x2  }
0x99: {  	s0 =	rddreg [dreg:$0x0];
	s2 =	stileid.u32  }
0x9a: {  	s1 =	rddreg [dreg:$0x1];
	p0 =	sne.s32 s2, $0x0  }
0x9b: {  	s3 =	rddreg [dreg:$0x2];
	[bflag:$0x3] =	sbarrier.arrive $0xFFFF;
	s2 =	simm.s32 @!p0 $0x1C01  }
0x9c: {  	[timem:s3], [sflag:s2] =	dma.local @!p0 [hbm:s0], s1  }
0x9d: {  	s0 =	simm.s32 @!p0 $0x1  }
0x9e: {  	_ =	swait.ge @!p0 [sflag:s0], s1  }
0x9f: {  	s1 =	ssub.s32 @!p0 $0x0, s1;
	[sflag:s0] =	ssyncset.done @!p0 $0x0  }
0xa0: {  	[sflag:s0] =	ssyncadd.s32 @!p0 s1  }
0xa1: {  	[bflag:$0x3] =	sbarrier.arrive $0xFFFF  }
0xa2: {  	_ =	shalt  }

</sc_bundles>
